<compile_context>
chip_gen: v7x
topology: tpu7x:2x2x1
jax: 0.10.2.dev20260603
libtpu: 0.0.44.dev20260713+nightly
codegen_flags: <defaults>
</compile_context>

<pallas_src>
import functools

import jax
import jax.numpy as jnp
from jax import lax
from jax.experimental import pallas as pl
from jax.experimental.pallas import tpu as pltpu
from jax.experimental.pallas import tpu_sc as plsc

EMB = 128
NUM_WORDS = 4096
PAIR_NUM = 131072
L = 16

@functools.cache
def _get_sc_bits():
    mesh = plsc.VectorSubcoreMesh(core_axis_name="c", subcore_axis_name="s")
    nw = mesh.num_cores * mesh.num_subcores
    bpw = PAIR_NUM // nw

    def _sc_bits_body(a_hbm, b_hbm, sm_hbm, out_hbm, a_v, b_v, sm_v, bits_v,
                      sem_a, sem_b, sem_s):
        wid = lax.axis_index("s") * mesh.num_cores + lax.axis_index("c")
        base = wid * bpw
        ca = pltpu.async_copy(a_hbm.at[pl.ds(base, bpw)], a_v, sem_a)
        cb = pltpu.async_copy(b_hbm.at[pl.ds(base, bpw)], b_v, sem_b)
        cs = pltpu.async_copy(sm_hbm, sm_v, sem_s)
        ca.wait()
        cb.wait()
        cs.wait()

        def body(i, carry):
            off = i * L
            va = a_v[pl.ds(off, L)]
            vb = b_v[pl.ds(off, L)]
            sa = plsc.load_gather(sm_v, [va])
            sb = plsc.load_gather(sm_v, [vb])
            bits_v[pl.ds(off, L)] = jnp.where(sa == sb, 1.0, 0.0)
            return carry

        lax.fori_loop(0, bpw // L, body, 0, unroll=4)
        pltpu.sync_copy(bits_v, out_hbm.at[pl.ds(base, bpw)])

    return pl.kernel(
        _sc_bits_body,
        out_type=jax.ShapeDtypeStruct((PAIR_NUM,), jnp.float32),
        mesh=mesh,
        scratch_types=[
            pltpu.VMEM((bpw,), jnp.int32),
            pltpu.VMEM((bpw,), jnp.int32),
            pltpu.VMEM((NUM_WORDS,), jnp.int32),
            pltpu.VMEM((bpw,), jnp.float32),
            pltpu.SemaphoreType.DMA,
            pltpu.SemaphoreType.DMA,
            pltpu.SemaphoreType.DMA,
        ],
        compiler_params=pltpu.CompilerParams(needs_layout_passes=False),
        name="sc_same_speaker_bits",
    )

_P = 8192
_Q = _P // 8


def _tc_body(lp0_ref, genre_ref, bits_ref, gemb_ref, demb_ref, semb_ref, out_ref):
    d = lp0_ref[1] - lp0_ref[0]
    logd = jnp.int32(0)
    for k in range(1, 12):
        logd = logd + jnp.int32(d >= (1 << k))
    log_d = jnp.minimum(logd, 6)
    d_idx = jnp.where(d < 5, d - 1, log_d + 2)
    g = genre_ref[0]

    demb = demb_ref[:]
    di = lax.broadcasted_iota(jnp.int32, demb.shape, 0)
    drow = jnp.sum(jnp.where(di == d_idx, demb, 0.0), axis=0, keepdims=True)

    gemb = gemb_ref[:]
    gi = lax.broadcasted_iota(jnp.int32, gemb.shape, 0)
    grow = jnp.sum(jnp.where(gi == g, gemb, 0.0), axis=0, keepdims=True)

    se = semb_ref[:]
    base0 = se[0:1, :].reshape(1, 1, EMB)
    diff = (se[1:2, :] - se[0:1, :]).reshape(1, 1, EMB)

    bits = bits_ref[:].reshape(_Q, 8, 1)
    out_ref[:, :, 0:EMB] = base0 + bits * diff
    out_ref[:, :, EMB:2 * EMB] = jnp.broadcast_to(drow.reshape(1, 1, EMB), (_Q, 8, EMB))
    out_ref[:, :, 2 * EMB:3 * EMB] = jnp.broadcast_to(grow.reshape(1, 1, EMB), (_Q, 8, EMB))


def kernel(link_pairs, speaker_map, genre, genre_emb, distance_emb, speaker_emb):
    a = link_pairs[:, 0].astype(jnp.int32)
    b = link_pairs[:, 1].astype(jnp.int32)
    sm = speaker_map.astype(jnp.int32)
    bits = _get_sc_bits()(a, b, sm)
    bits2d = bits.reshape(PAIR_NUM // 8, 8)
    lp0 = link_pairs[0, :].astype(jnp.int32)
    genre_arr = jnp.asarray(genre, jnp.int32).reshape(1)

    grid = PAIR_NUM // _P
    out3 = pl.pallas_call(
        _tc_body,
        grid=(grid,),
        in_specs=[
            pl.BlockSpec(memory_space=pltpu.SMEM),
            pl.BlockSpec(memory_space=pltpu.SMEM),
            pl.BlockSpec((_Q, 8), lambda i: (i, 0)),
            pl.BlockSpec((7, EMB), lambda i: (0, 0)),
            pl.BlockSpec((9, EMB), lambda i: (0, 0)),
            pl.BlockSpec((2, EMB), lambda i: (0, 0)),
        ],
        out_specs=pl.BlockSpec((_Q, 8, 3 * EMB), lambda i: (i, 0, 0)),
        out_shape=jax.ShapeDtypeStruct((PAIR_NUM // 8, 8, 3 * EMB), jnp.float32),
        compiler_params=pltpu.CompilerParams(
            vmem_limit_bytes=110 * 1024 * 1024,
        ),
    )(lp0, genre_arr, bits2d, genre_emb, distance_emb, speaker_emb)
    return out3.reshape(PAIR_NUM, 3 * EMB)

# --- scband reference (transcript-rebuilt; emitter-appended) ---
"""Pipeline reference for scband-pairwise-encoder-42021960024802 (READ-ONLY COPY).

The authoritative reference and input builder live on the scoring server;
editing this copy changes nothing except your own understanding.
"""

import jax, jax.numpy as jnp
import numpy as np

EMB = 128
NUM_WORDS = 4096
PAIR_NUM = 131072


def setup_inputs(seed: int = 0) -> dict:
    key = jax.random.key(seed)
    k1, k2, k3, k4, k5, k6 = jax.random.split(key, 6)
    # link_pairs: ensure pair[i,1] > pair[i,0] so the distance index is valid
    # (the original torch code takes log2 of the distance of the FIRST pair
    #  and indexes a 9-row embedding, so distance must be >= 1).
    src = jax.random.randint(k1, (PAIR_NUM,), 0, NUM_WORDS - 64)
    off = jax.random.randint(k2, (PAIR_NUM,), 1, 64)
    link_pairs = jnp.stack([src, src + off], axis=1)
    # speaker_map: per-word speaker ids (the torch module builds this from doc['speaker'])
    speaker_map = jax.random.randint(k3, (NUM_WORDS,), 0, 16)
    # genre: scalar genre id, genre2int[doc['document_id'][:2]] in [0, 7)
    genre = 3
    # learned embedding tables (torch.nn.Embedding weights)
    genre_emb = jax.random.normal(k4, (7, EMB), dtype=jnp.float32) * 0.02
    distance_emb = jax.random.normal(k5, (9, EMB), dtype=jnp.float32) * 0.02
    speaker_emb = jax.random.normal(k6, (2, EMB), dtype=jnp.float32) * 0.02
    return {
        "link_pairs": link_pairs,
        "speaker_map": speaker_map,
        "genre": genre,
        "genre_emb": genre_emb,
        "distance_emb": distance_emb,
        "speaker_emb": speaker_emb,
    }


def reference(link_pairs, speaker_map, genre, genre_emb, distance_emb, speaker_emb):
    pair_num = link_pairs.shape[0]
    # speaker_map[link_pairs] -> [pair_num, 2]
    sm = jnp.take(speaker_map, link_pairs, axis=0)
    same_speaker_idx = (sm[:, 0] == sm[:, 1]).astype(jnp.int32)
    same_speaker = jnp.take(speaker_emb, same_speaker_idx, axis=0)
    # NOTE: faithful to the original (buggy-looking) torch code: distance is
    # computed only from the FIRST pair and repeated for all pairs.
    distance = link_pairs[0, 1] - link_pairs[0, 0]
    log_distance = jnp.minimum(jnp.floor(jnp.log2(distance.astype(jnp.float32))), 6.0).astype(jnp.int32)
    d_idx = jnp.where(distance < 5, distance - 1, log_distance + 2).astype(jnp.int32)
    d_idx = jnp.broadcast_to(d_idx, (pair_num,))  # .repeat(pair_num)
    distance_e = jnp.take(distance_emb, d_idx, axis=0)
    g_idx = jnp.full((pair_num,), genre, dtype=jnp.int32)
    genre_e = jnp.take(genre_emb, g_idx, axis=0)
    # dropout in eval mode == identity
    return jnp.concatenate((same_speaker, distance_e, genre_e), axis=1)

if __name__ == "__main__":
    import jax
    _d = setup_inputs()
    print(jax.jit(kernel)(*tuple(_d.values())))

</pallas_src>

<mosaic_0001>
#map = affine_map<(d0, d1) -> (0)>
module attributes {stable_mosaic.version = 14 : i64} {
  func.func @sc_same_speaker_bits(%arg0: i32, %arg1: i32, %arg2: memref<131072xi32, #tpu.memory_space<hbm>>, %arg3: memref<131072xi32, #tpu.memory_space<hbm>>, %arg4: memref<4096xi32, #tpu.memory_space<hbm>>, %arg5: memref<131072xf32, #tpu.memory_space<hbm>>, %arg6: memref<4096xi32, #tpu.memory_space<vmem>>, %arg7: memref<4096xi32, #tpu.memory_space<vmem>>, %arg8: memref<4096xi32, #tpu.memory_space<vmem>>, %arg9: memref<4096xf32, #tpu.memory_space<vmem>>, %arg10: memref<!tpu.dma_semaphore, #tpu.memory_space<semaphore_mem>>, %arg11: memref<!tpu.dma_semaphore, #tpu.memory_space<semaphore_mem>>, %arg12: memref<!tpu.dma_semaphore, #tpu.memory_space<semaphore_mem>>) attributes {dimension_semantics = [#tpu.dimension_semantics<core_parallel>, #tpu.dimension_semantics<subcore_parallel>], iteration_bounds = array<i64: 2, 16>, scalar_prefetch = 0 : i64, scratch_operands = 7 : i64, tpu.core_type = #tpu.core_type<sc_vector_subcore>, window_params = [{transform_indices = #map}, {transform_indices = #map}, {transform_indices = #map}, {transform_indices = #map}]} {
    %mul3A = arith.constant 2 : i32
    %mul3A_0 = arith.muli %arg1, %mul3A : i32
    %add3A = arith.addi %mul3A_0, %arg0 : i32
    %mul3A_1 = arith.constant 4096 : i32
    %mul3A_2 = arith.muli %add3A, %mul3A_1 : i32
    %dma_start3A = tpu.memref_slice %arg2[%mul3A_2] : memref<131072xi32, #tpu.memory_space<hbm>> -> memref<4096xi32, #tpu.memory_space<hbm>>
    %dma_start3A_3 = tpu.memref_slice %arg2[%mul3A_2] : memref<131072xi32, #tpu.memory_space<hbm>> -> memref<4096xi32, #tpu.memory_space<hbm>>
    tpu.enqueue_dma source(%dma_start3A_3 : memref<4096xi32, #tpu.memory_space<hbm>>) target(%arg6 : memref<4096xi32, #tpu.memory_space<vmem>>) target_semaphore(%arg10 : memref<!tpu.dma_semaphore, #tpu.memory_space<semaphore_mem>>)
    %dma_start3A_4 = tpu.memref_slice %arg3[%mul3A_2] : memref<131072xi32, #tpu.memory_space<hbm>> -> memref<4096xi32, #tpu.memory_space<hbm>>
    %dma_start3A_5 = tpu.memref_slice %arg3[%mul3A_2] : memref<131072xi32, #tpu.memory_space<hbm>> -> memref<4096xi32, #tpu.memory_space<hbm>>
    tpu.enqueue_dma source(%dma_start3A_5 : memref<4096xi32, #tpu.memory_space<hbm>>) target(%arg7 : memref<4096xi32, #tpu.memory_space<vmem>>) target_semaphore(%arg11 : memref<!tpu.dma_semaphore, #tpu.memory_space<semaphore_mem>>)
    tpu.enqueue_dma source(%arg4 : memref<4096xi32, #tpu.memory_space<hbm>>) target(%arg8 : memref<4096xi32, #tpu.memory_space<vmem>>) target_semaphore(%arg12 : memref<!tpu.dma_semaphore, #tpu.memory_space<semaphore_mem>>)
    %dma_wait3A = tpu.memref_slice %arg2[%mul3A_2] : memref<131072xi32, #tpu.memory_space<hbm>> -> memref<4096xi32, #tpu.memory_space<hbm>>
    %dma_wait3A_6 = tpu.memref_slice %arg2[%mul3A_2] : memref<131072xi32, #tpu.memory_space<hbm>> -> memref<4096xi32, #tpu.memory_space<hbm>>
    tpu.wait_dma2 semaphore(%arg10 : memref<!tpu.dma_semaphore, #tpu.memory_space<semaphore_mem>>) src(%dma_wait3A_6 : memref<4096xi32, #tpu.memory_space<hbm>>) dst(%arg6 : memref<4096xi32, #tpu.memory_space<vmem>>)
    %dma_wait3A_7 = tpu.memref_slice %arg3[%mul3A_2] : memref<131072xi32, #tpu.memory_space<hbm>> -> memref<4096xi32, #tpu.memory_space<hbm>>
    %dma_wait3A_8 = tpu.memref_slice %arg3[%mul3A_2] : memref<131072xi32, #tpu.memory_space<hbm>> -> memref<4096xi32, #tpu.memory_space<hbm>>
    tpu.wait_dma2 semaphore(%arg11 : memref<!tpu.dma_semaphore, #tpu.memory_space<semaphore_mem>>) src(%dma_wait3A_8 : memref<4096xi32, #tpu.memory_space<hbm>>) dst(%arg7 : memref<4096xi32, #tpu.memory_space<vmem>>)
    tpu.wait_dma2 semaphore(%arg12 : memref<!tpu.dma_semaphore, #tpu.memory_space<semaphore_mem>>) src(%arg4 : memref<4096xi32, #tpu.memory_space<hbm>>) dst(%arg8 : memref<4096xi32, #tpu.memory_space<vmem>>)
    %scan3A = arith.constant 0 : i32
    %scan3A_9 = arith.constant 0 : i32
    %scan3A_10 = arith.constant 256 : i32
    %scan3A_11 = arith.addi %scan3A_9, %scan3A_10 : i32
    %scan3A_12 = arith.constant 4 : i32
    scf.for %scan3A_14 = %scan3A_9 to %scan3A_11 step %scan3A_12  : i32 {
      %mul3A_15 = arith.constant 16 : i32
      %mul3A_16 = arith.muli %scan3A_14, %mul3A_15 : i32
      %get3A = arith.index_cast %mul3A_16 : i32 to index
      %get3A_17 = tpu.vector_load %arg6[%get3A] {strides = array<i32>} : memref<4096xi32, #tpu.memory_space<vmem>>, vector<16xi32>,
      %get3A_18 = arith.index_cast %mul3A_16 : i32 to index
      %get3A_19 = tpu.vector_load %arg7[%get3A_18] {strides = array<i32>} : memref<4096xi32, #tpu.memory_space<vmem>>, vector<16xi32>,
      %gather3A = tpu.vector_load_idx %arg8[%get3A_17] : memref<4096xi32, #tpu.memory_space<vmem>>[vector<16xi32>], vector<16xi32>,
      %gather3A_20 = tpu.vector_load_idx %arg8[%get3A_19] : memref<4096xi32, #tpu.memory_space<vmem>>[vector<16xi32>], vector<16xi32>,
      %eq3A = arith.cmpi eq, %gather3A, %gather3A_20 : vector<16xi32>
      %jit3A = arith.constant 1.000000e+00 : f32
      %jit3A_21 = arith.constant 0.000000e+00 : f32
      %broadcast_in_dim3A = vector.broadcast %jit3A : f32 to vector<16xf32>
      %broadcast_in_dim3A_22 = vector.broadcast %jit3A_21 : f32 to vector<16xf32>
      %select_n3A = arith.select %eq3A, %broadcast_in_dim3A, %broadcast_in_dim3A_22 : vector<16xi1>, vector<16xf32>
      %swap3A = arith.index_cast %mul3A_16 : i32 to index
      %swap3A_23 = tpu.vector_load %arg9[%swap3A] {strides = array<i32>} : memref<4096xf32, #tpu.memory_space<vmem>>, vector<16xf32>,
      tpu.vector_store %arg9[%swap3A], %select_n3A {strides = array<i32>} : memref<4096xf32, #tpu.memory_space<vmem>>, vector<16xf32>,
      %scan3A_24 = arith.constant 1 : i32
      %scan3A_25 = arith.addi %scan3A_14, %scan3A_24 : i32
      %mul3A_26 = arith.constant 16 : i32
      %mul3A_27 = arith.muli %scan3A_25, %mul3A_26 : i32
      %get3A_28 = arith.index_cast %mul3A_27 : i32 to index
      %get3A_29 = tpu.vector_load %arg6[%get3A_28] {strides = array<i32>} : memref<4096xi32, #tpu.memory_space<vmem>>, vector<16xi32>,
      %get3A_30 = arith.index_cast %mul3A_27 : i32 to index
      %get3A_31 = tpu.vector_load %arg7[%get3A_30] {strides = array<i32>} : memref<4096xi32, #tpu.memory_space<vmem>>, vector<16xi32>,
      %gather3A_32 = tpu.vector_load_idx %arg8[%get3A_29] : memref<4096xi32, #tpu.memory_space<vmem>>[vector<16xi32>], vector<16xi32>,
      %gather3A_33 = tpu.vector_load_idx %arg8[%get3A_31] : memref<4096xi32, #tpu.memory_space<vmem>>[vector<16xi32>], vector<16xi32>,
      %eq3A_34 = arith.cmpi eq, %gather3A_32, %gather3A_33 : vector<16xi32>
      %jit3A_35 = arith.constant 1.000000e+00 : f32
      %jit3A_36 = arith.constant 0.000000e+00 : f32
      %broadcast_in_dim3A_37 = vector.broadcast %jit3A_35 : f32 to vector<16xf32>
      %broadcast_in_dim3A_38 = vector.broadcast %jit3A_36 : f32 to vector<16xf32>
      %select_n3A_39 = arith.select %eq3A_34, %broadcast_in_dim3A_37, %broadcast_in_dim3A_38 : vector<16xi1>, vector<16xf32>
      %swap3A_40 = arith.index_cast %mul3A_27 : i32 to index
      %swap3A_41 = tpu.vector_load %arg9[%swap3A_40] {strides = array<i32>} : memref<4096xf32, #tpu.memory_space<vmem>>, vector<16xf32>,
      tpu.vector_store %arg9[%swap3A_40], %select_n3A_39 {strides = array<i32>} : memref<4096xf32, #tpu.memory_space<vmem>>, vector<16xf32>,
      %scan3A_42 = arith.constant 2 : i32
      %scan3A_43 = arith.addi %scan3A_14, %scan3A_42 : i32
      %mul3A_44 = arith.constant 16 : i32
      %mul3A_45 = arith.muli %scan3A_43, %mul3A_44 : i32
      %get3A_46 = arith.index_cast %mul3A_45 : i32 to index
      %get3A_47 = tpu.vector_load %arg6[%get3A_46] {strides = array<i32>} : memref<4096xi32, #tpu.memory_space<vmem>>, vector<16xi32>,
      %get3A_48 = arith.index_cast %mul3A_45 : i32 to index
      %get3A_49 = tpu.vector_load %arg7[%get3A_48] {strides = array<i32>} : memref<4096xi32, #tpu.memory_space<vmem>>, vector<16xi32>,
      %gather3A_50 = tpu.vector_load_idx %arg8[%get3A_47] : memref<4096xi32, #tpu.memory_space<vmem>>[vector<16xi32>], vector<16xi32>,
      %gather3A_51 = tpu.vector_load_idx %arg8[%get3A_49] : memref<4096xi32, #tpu.memory_space<vmem>>[vector<16xi32>], vector<16xi32>,
      %eq3A_52 = arith.cmpi eq, %gather3A_50, %gather3A_51 : vector<16xi32>
      %jit3A_53 = arith.constant 1.000000e+00 : f32
      %jit3A_54 = arith.constant 0.000000e+00 : f32
      %broadcast_in_dim3A_55 = vector.broadcast %jit3A_53 : f32 to vector<16xf32>
      %broadcast_in_dim3A_56 = vector.broadcast %jit3A_54 : f32 to vector<16xf32>
      %select_n3A_57 = arith.select %eq3A_52, %broadcast_in_dim3A_55, %broadcast_in_dim3A_56 : vector<16xi1>, vector<16xf32>
      %swap3A_58 = arith.index_cast %mul3A_45 : i32 to index
      %swap3A_59 = tpu.vector_load %arg9[%swap3A_58] {strides = array<i32>} : memref<4096xf32, #tpu.memory_space<vmem>>, vector<16xf32>,
      tpu.vector_store %arg9[%swap3A_58], %select_n3A_57 {strides = array<i32>} : memref<4096xf32, #tpu.memory_space<vmem>>, vector<16xf32>,
      %scan3A_60 = arith.constant 3 : i32
      %scan3A_61 = arith.addi %scan3A_14, %scan3A_60 : i32
      %mul3A_62 = arith.constant 16 : i32
      %mul3A_63 = arith.muli %scan3A_61, %mul3A_62 : i32
      %get3A_64 = arith.index_cast %mul3A_63 : i32 to index
      %get3A_65 = tpu.vector_load %arg6[%get3A_64] {strides = array<i32>} : memref<4096xi32, #tpu.memory_space<vmem>>, vector<16xi32>,
      %get3A_66 = arith.index_cast %mul3A_63 : i32 to index
      %get3A_67 = tpu.vector_load %arg7[%get3A_66] {strides = array<i32>} : memref<4096xi32, #tpu.memory_space<vmem>>, vector<16xi32>,
      %gather3A_68 = tpu.vector_load_idx %arg8[%get3A_65] : memref<4096xi32, #tpu.memory_space<vmem>>[vector<16xi32>], vector<16xi32>,
      %gather3A_69 = tpu.vector_load_idx %arg8[%get3A_67] : memref<4096xi32, #tpu.memory_space<vmem>>[vector<16xi32>], vector<16xi32>,
      %eq3A_70 = arith.cmpi eq, %gather3A_68, %gather3A_69 : vector<16xi32>
      %jit3A_71 = arith.constant 1.000000e+00 : f32
      %jit3A_72 = arith.constant 0.000000e+00 : f32
      %broadcast_in_dim3A_73 = vector.broadcast %jit3A_71 : f32 to vector<16xf32>
      %broadcast_in_dim3A_74 = vector.broadcast %jit3A_72 : f32 to vector<16xf32>
      %select_n3A_75 = arith.select %eq3A_70, %broadcast_in_dim3A_73, %broadcast_in_dim3A_74 : vector<16xi1>, vector<16xf32>
      %swap3A_76 = arith.index_cast %mul3A_63 : i32 to index
      %swap3A_77 = tpu.vector_load %arg9[%swap3A_76] {strides = array<i32>} : memref<4096xf32, #tpu.memory_space<vmem>>, vector<16xf32>,
      tpu.vector_store %arg9[%swap3A_76], %select_n3A_75 {strides = array<i32>} : memref<4096xf32, #tpu.memory_space<vmem>>, vector<16xf32>,
    }
    %scan3A_13 = arith.constant 256 : i32
    "tpu.region"() ({
      %run_scoped3A = tpu.sem_alloc : memref<!tpu.dma_semaphore, #tpu.memory_space<semaphore_mem>>
      %dma_start3A_14 = tpu.memref_slice %arg5[%mul3A_2] : memref<131072xf32, #tpu.memory_space<hbm>> -> memref<4096xf32, #tpu.memory_space<hbm>>
      %dma_start3A_15 = tpu.memref_slice %arg5[%mul3A_2] : memref<131072xf32, #tpu.memory_space<hbm>> -> memref<4096xf32, #tpu.memory_space<hbm>>
      tpu.enqueue_dma source(%arg9 : memref<4096xf32, #tpu.memory_space<vmem>>) target(%dma_start3A_15 : memref<4096xf32, #tpu.memory_space<hbm>>) target_semaphore(%run_scoped3A : memref<!tpu.dma_semaphore, #tpu.memory_space<semaphore_mem>>)
      %dma_wait3A_16 = tpu.memref_slice %arg5[%mul3A_2] : memref<131072xf32, #tpu.memory_space<hbm>> -> memref<4096xf32, #tpu.memory_space<hbm>>
      %dma_wait3A_17 = tpu.memref_slice %arg5[%mul3A_2] : memref<131072xf32, #tpu.memory_space<hbm>> -> memref<4096xf32, #tpu.memory_space<hbm>>
      tpu.wait_dma2 semaphore(%run_scoped3A : memref<!tpu.dma_semaphore, #tpu.memory_space<semaphore_mem>>) src(%arg9 : memref<4096xf32, #tpu.memory_space<vmem>>) dst(%dma_wait3A_17 : memref<4096xf32, #tpu.memory_space<hbm>>)
      tpu.yield
    }) : () -> ()
    return
  }
}

module attributes {stable_mosaic.version = 14 : i64} {
  func.func @_tc_body(%arg0: i32, %arg1: memref<2xi32, #tpu.memory_space<smem>>, %arg2: memref<1xi32, #tpu.memory_space<smem>>, %arg3: memref<1024x8xf32, #tpu.memory_space<vmem>>, %arg4: memref<7x128xf32, #tpu.memory_space<vmem>>, %arg5: memref<9x128xf32, #tpu.memory_space<vmem>>, %arg6: memref<2x128xf32, #tpu.memory_space<vmem>>, %arg7: memref<1024x8x384xf32, #tpu.memory_space<vmem>>) attributes {dimension_semantics = [#tpu.dimension_semantics<arbitrary>], iteration_bounds = array<i64: 16>, scalar_prefetch = 0 : i64, scratch_operands = 0 : i64, tpu.core_type = #tpu.core_type<tc>, window_params = [{transform_indices = @transform_0, window_bounds = array<i64: 2>}, {transform_indices = @transform_1, window_bounds = array<i64: 1>}, {transform_indices = @transform_2, window_bounds = array<i64: 1024, 8>}, {pipeline_mode = #tpu.pipeline_mode<synchronous>, transform_indices = @transform_3, window_bounds = array<i64: 7, 128>}, {pipeline_mode = #tpu.pipeline_mode<synchronous>, transform_indices = @transform_4, window_bounds = array<i64: 9, 128>}, {pipeline_mode = #tpu.pipeline_mode<synchronous>, transform_indices = @transform_5, window_bounds = array<i64: 2, 128>}, {transform_indices = @transform_6, window_bounds = array<i64: 1024, 8, 384>}]} {
    %get3A = arith.constant 1 : index
    %get3A_0 = memref.load %arg1[%get3A] : memref<2xi32, #tpu.memory_space<smem>>
    %get3A_1 = arith.constant 0 : index
    %get3A_2 = memref.load %arg1[%get3A_1] : memref<2xi32, #tpu.memory_space<smem>>
    %sub3A = arith.subi %get3A_0, %get3A_2 : i32
    %ge3A = arith.constant 2 : i32
    %ge3A_3 = arith.cmpi sge, %sub3A, %ge3A : i32
    %convert_element_type3A = arith.extui %ge3A_3 : i1 to i32
    %add3A = arith.constant 0 : i32
    %add3A_4 = arith.addi %add3A, %convert_element_type3A : i32
    %ge3A_5 = arith.constant 4 : i32
    %ge3A_6 = arith.cmpi sge, %sub3A, %ge3A_5 : i32
    %convert_element_type3A_7 = arith.extui %ge3A_6 : i1 to i32
    %add3A_8 = arith.addi %add3A_4, %convert_element_type3A_7 : i32
    %ge3A_9 = arith.constant 8 : i32
    %ge3A_10 = arith.cmpi sge, %sub3A, %ge3A_9 : i32
    %convert_element_type3A_11 = arith.extui %ge3A_10 : i1 to i32
    %add3A_12 = arith.addi %add3A_8, %convert_element_type3A_11 : i32
    %ge3A_13 = arith.constant 16 : i32
    %ge3A_14 = arith.cmpi sge, %sub3A, %ge3A_13 : i32
    %convert_element_type3A_15 = arith.extui %ge3A_14 : i1 to i32
    %add3A_16 = arith.addi %add3A_12, %convert_element_type3A_15 : i32
    %ge3A_17 = arith.constant 32 : i32
    %ge3A_18 = arith.cmpi sge, %sub3A, %ge3A_17 : i32
    %convert_element_type3A_19 = arith.extui %ge3A_18 : i1 to i32
    %add3A_20 = arith.addi %add3A_16, %convert_element_type3A_19 : i32
    %ge3A_21 = arith.constant 64 : i32
    %ge3A_22 = arith.cmpi sge, %sub3A, %ge3A_21 : i32
    %convert_element_type3A_23 = arith.extui %ge3A_22 : i1 to i32
    %add3A_24 = arith.addi %add3A_20, %convert_element_type3A_23 : i32
    %ge3A_25 = arith.constant 128 : i32
    %ge3A_26 = arith.cmpi sge, %sub3A, %ge3A_25 : i32
    %convert_element_type3A_27 = arith.extui %ge3A_26 : i1 to i32
    %add3A_28 = arith.addi %add3A_24, %convert_element_type3A_27 : i32
    %ge3A_29 = arith.constant 256 : i32
    %ge3A_30 = arith.cmpi sge, %sub3A, %ge3A_29 : i32
    %convert_element_type3A_31 = arith.extui %ge3A_30 : i1 to i32
    %add3A_32 = arith.addi %add3A_28, %convert_element_type3A_31 : i32
    %ge3A_33 = arith.constant 512 : i32
    %ge3A_34 = arith.cmpi sge, %sub3A, %ge3A_33 : i32
    %convert_element_type3A_35 = arith.extui %ge3A_34 : i1 to i32
    %add3A_36 = arith.addi %add3A_32, %convert_element_type3A_35 : i32
    %ge3A_37 = arith.constant 1024 : i32
    %ge3A_38 = arith.cmpi sge, %sub3A, %ge3A_37 : i32
    %convert_element_type3A_39 = arith.extui %ge3A_38 : i1 to i32
    %add3A_40 = arith.addi %add3A_36, %convert_element_type3A_39 : i32
    %ge3A_41 = arith.constant 2048 : i32
    %ge3A_42 = arith.cmpi sge, %sub3A, %ge3A_41 : i32
    %convert_element_type3A_43 = arith.extui %ge3A_42 : i1 to i32
    %add3A_44 = arith.addi %add3A_40, %convert_element_type3A_43 : i32
    %min3A = arith.constant 6 : i32
    %min3A_45 = arith.minsi %add3A_44, %min3A : i32
    %lt3A = arith.constant 5 : i32
    %lt3A_46 = arith.cmpi slt, %sub3A, %lt3A : i32
    %sub3A_47 = arith.constant 1 : i32
    %sub3A_48 = arith.subi %sub3A, %sub3A_47 : i32
    %add3A_49 = arith.constant 2 : i32
    %add3A_50 = arith.addi %min3A_45, %add3A_49 : i32
    %select_n3A = arith.select %lt3A_46, %sub3A_48, %add3A_50 : i32
    %get3A_51 = arith.constant 0 : index
    %get3A_52 = memref.load %arg2[%get3A_51] : memref<1xi32, #tpu.memory_space<smem>>
    %get3A_53 = arith.constant 0 : index
    %get3A_54 = arith.constant 0 : index
    %get3A_55 = vector.load %arg5[%get3A_53, %get3A_54] : memref<9x128xf32, #tpu.memory_space<vmem>>, vector<9x128xf32>
    %iota3A = tpu.iota {dimensions = array<i32: 0>} : vector<9x128xi32>
    %eq3A = vector.broadcast %select_n3A : i32 to vector<9x128xi32>
    %eq3A_56 = arith.cmpi eq, %iota3A, %eq3A : vector<9x128xi32>
    %jit3A = arith.constant 0.000000e+00 : f32
    %broadcast_in_dim3A = vector.broadcast %jit3A : f32 to vector<9x128xf32>
    %select_n3A_57 = arith.select %eq3A_56, %get3A_55, %broadcast_in_dim3A : vector<9x128xi1>, vector<9x128xf32>
    %reduce_sum3A = arith.constant dense<0.000000e+00> : vector<128xf32>
    %reduce_sum3A_58 = vector.multi_reduction <add>, %select_n3A_57, %reduce_sum3A [0] : vector<9x128xf32> to vector<128xf32>
    %broadcast_in_dim3A_59 = vector.shape_cast %reduce_sum3A_58 : vector<128xf32> to vector<1x128xf32>
    %get3A_60 = arith.constant 0 : index
    %get3A_61 = arith.constant 0 : index
    %get3A_62 = vector.load %arg4[%get3A_60, %get3A_61] : memref<7x128xf32, #tpu.memory_space<vmem>>, vector<7x128xf32>
    %iota3A_63 = tpu.iota {dimensions = array<i32: 0>} : vector<7x128xi32>
    %eq3A_64 = vector.broadcast %get3A_52 : i32 to vector<7x128xi32>
    %eq3A_65 = arith.cmpi eq, %iota3A_63, %eq3A_64 : vector<7x128xi32>
    %jit3A_66 = arith.constant 0.000000e+00 : f32
    %broadcast_in_dim3A_67 = vector.broadcast %jit3A_66 : f32 to vector<7x128xf32>
    %select_n3A_68 = arith.select %eq3A_65, %get3A_62, %broadcast_in_dim3A_67 : vector<7x128xi1>, vector<7x128xf32>
    %reduce_sum3A_69 = arith.constant dense<0.000000e+00> : vector<128xf32>
    %reduce_sum3A_70 = vector.multi_reduction <add>, %select_n3A_68, %reduce_sum3A_69 [0] : vector<7x128xf32> to vector<128xf32>
    %broadcast_in_dim3A_71 = vector.shape_cast %reduce_sum3A_70 : vector<128xf32> to vector<1x128xf32>
    %get3A_72 = arith.constant 0 : index
    %get3A_73 = arith.constant 0 : index
    %get3A_74 = vector.load %arg6[%get3A_72, %get3A_73] : memref<2x128xf32, #tpu.memory_space<vmem>>, vector<2x128xf32>
    %slice3A = vector.extract_strided_slice %get3A_74 {offsets = [0, 0], sizes = [1, 128], strides = [1, 1]} : vector<2x128xf32> to vector<1x128xf32>
    %reshape3A = vector.shape_cast %slice3A : vector<1x128xf32> to vector<1x1x128xf32>
    %slice3A_75 = vector.extract_strided_slice %get3A_74 {offsets = [1, 0], sizes = [1, 128], strides = [1, 1]} : vector<2x128xf32> to vector<1x128xf32>
    %slice3A_76 = vector.extract_strided_slice %get3A_74 {offsets = [0, 0], sizes = [1, 128], strides = [1, 1]} : vector<2x128xf32> to vector<1x128xf32>
    %sub3A_77 = arith.subf %slice3A_75, %slice3A_76 : vector<1x128xf32>
    %reshape3A_78 = vector.shape_cast %sub3A_77 : vector<1x128xf32> to vector<1x1x128xf32>
    %get3A_79 = arith.constant 0 : index
    %get3A_80 = arith.constant 0 : index
    %get3A_81 = vector.load %arg3[%get3A_79, %get3A_80] : memref<1024x8xf32, #tpu.memory_space<vmem>>, vector<1024x8xf32>
    %reshape3A_82 = vector.shape_cast %get3A_81 : vector<1024x8xf32> to vector<1024x8x1xf32>
    %mul3A = vector.broadcast %reshape3A_82 : vector<1024x8x1xf32> to vector<1024x8x128xf32>
    %mul3A_83 = vector.broadcast %reshape3A_78 : vector<1x1x128xf32> to vector<1024x8x128xf32>
    %mul3A_84 = arith.mulf %mul3A, %mul3A_83 : vector<1024x8x128xf32>
    %add3A_85 = vector.broadcast %reshape3A : vector<1x1x128xf32> to vector<1024x8x128xf32>
    %add3A_86 = arith.addf %add3A_85, %mul3A_84 : vector<1024x8x128xf32>
    %swap3A = arith.constant 0 : index
    %swap3A_87 = arith.constant 0 : index
    %swap3A_88 = arith.constant 0 : index
    %swap3A_89 = vector.load %arg7[%swap3A, %swap3A_87, %swap3A_88] : memref<1024x8x384xf32, #tpu.memory_space<vmem>>, vector<1024x8x128xf32>
    tpu.vector_store %arg7[%swap3A, %swap3A_87, %swap3A_88], %add3A_86 {strides = array<i32>} : memref<1024x8x384xf32, #tpu.memory_space<vmem>>, vector<1024x8x128xf32>,
    %reshape3A_90 = vector.shape_cast %broadcast_in_dim3A_59 : vector<1x128xf32> to vector<1x1x128xf32>
    %broadcast_in_dim3A_91 = vector.shape_cast %reshape3A_90 : vector<1x1x128xf32> to vector<1x1x128xf32>
    %broadcast_in_dim3A_92 = vector.broadcast %broadcast_in_dim3A_91 : vector<1x1x128xf32> to vector<1024x8x128xf32>
    %swap3A_93 = arith.constant 0 : index
    %swap3A_94 = arith.constant 0 : index
    %swap3A_95 = arith.constant 128 : index
    %swap3A_96 = vector.load %arg7[%swap3A_93, %swap3A_94, %swap3A_95] : memref<1024x8x384xf32, #tpu.memory_space<vmem>>, vector<1024x8x128xf32>
    tpu.vector_store %arg7[%swap3A_93, %swap3A_94, %swap3A_95], %broadcast_in_dim3A_92 {strides = array<i32>} : memref<1024x8x384xf32, #tpu.memory_space<vmem>>, vector<1024x8x128xf32>,
    %reshape3A_97 = vector.shape_cast %broadcast_in_dim3A_71 : vector<1x128xf32> to vector<1x1x128xf32>
    %broadcast_in_dim3A_98 = vector.shape_cast %reshape3A_97 : vector<1x1x128xf32> to vector<1x1x128xf32>
    %broadcast_in_dim3A_99 = vector.broadcast %broadcast_in_dim3A_98 : vector<1x1x128xf32> to vector<1024x8x128xf32>
    %swap3A_100 = arith.constant 0 : index
    %swap3A_101 = arith.constant 0 : index
    %swap3A_102 = arith.constant 256 : index
    %swap3A_103 = vector.load %arg7[%swap3A_100, %swap3A_101, %swap3A_102] : memref<1024x8x384xf32, #tpu.memory_space<vmem>>, vector<1024x8x128xf32>
    tpu.vector_store %arg7[%swap3A_100, %swap3A_101, %swap3A_102], %broadcast_in_dim3A_99 {strides = array<i32>} : memref<1024x8x384xf32, #tpu.memory_space<vmem>>, vector<1024x8x128xf32>,
    return
  }
  func.func @transform_0(%arg0: i32) -> i32 {
    %c0_i32 = arith.constant 0 : i32
    %c0_i32_0 = arith.constant 0 : i32
    return %c0_i32 : i32
  }
  func.func @transform_1(%arg0: i32) -> i32 {
    %c0_i32 = arith.constant 0 : i32
    %c0_i32_0 = arith.constant 0 : i32
    return %c0_i32 : i32
  }
  func.func @transform_2(%arg0: i32) -> (i32, i32) {
    %c0_i32 = arith.constant 0 : i32
    %c0_i32_0 = arith.constant 0 : i32
    return %arg0, %c0_i32 : i32, i32
  }
  func.func @transform_3(%arg0: i32) -> (i32, i32) {
    %c0_i32 = arith.constant 0 : i32
    %c0_i32_0 = arith.constant 0 : i32
    %c0_i32_1 = arith.constant 0 : i32
    return %c0_i32, %c0_i32_0 : i32, i32
  }
  func.func @transform_4(%arg0: i32) -> (i32, i32) {
    %c0_i32 = arith.constant 0 : i32
    %c0_i32_0 = arith.constant 0 : i32
    %c0_i32_1 = arith.constant 0 : i32
    return %c0_i32, %c0_i32_0 : i32, i32
  }
  func.func @transform_5(%arg0: i32) -> (i32, i32) {
    %c0_i32 = arith.constant 0 : i32
    %c0_i32_0 = arith.constant 0 : i32
    %c0_i32_1 = arith.constant 0 : i32
    return %c0_i32, %c0_i32_0 : i32, i32
  }
  func.func @transform_6(%arg0: i32) -> (i32, i32, i32) {
    %c0_i32 = arith.constant 0 : i32
    %c0_i32_0 = arith.constant 0 : i32
    %c0_i32_1 = arith.constant 0 : i32
    return %arg0, %c0_i32, %c0_i32_0 : i32, i32, i32
  }
}

</mosaic_0001>

<sc_bundles>
// kernel: sc_same_speaker_bits.3.cloned.1.call-start
scs
__scs_entry_jumppad:
0x0: {  	(pc) =	sbr.rel $0x88, $3  }
0x1: {  	(tag) =	ssettag $0x0;
	lr =	simm.s32 $0x1  }
0x2: {  	[smem:$0x3F9B] =	sst lr;
	_ =	strace $0xD0000000  }
0x3: {  	_ = 	snop  }
0x4: {  	_ = 	snop  }
0x5: {  	_ = 	snop  }
0x6: {  	_ = 	snop  }
0x7: {  	_ = 	snop  }
__scs_overlays_trampoline_lowered:
0x8: {  	[smem:$0x3FAA] =	sst s0  }
0x9: {  	[smem:$0x3FAB] =	sst s1  }
0xa: {  	[smem:$0x3FAC] =	sst s2  }
0xb: {  	[smem:$0x3FAD] =	sst s3  }
0xc: {  	[smem:$0x3FAE] =	sst s4  }
0xd: {  	[smem:$0x3FAF] =	sst s5  }
0xe: {  	[smem:$0x3FB0] =	sst s6  }
0xf: {  	[smem:$0x3FB1] =	sst s7  }
0x10: {  	[smem:$0x3FB2] =	sst s8  }
0x11: {  	[smem:$0x3FB3] =	sst s9;
	s0 =	simm.s32 @!p0 $0x0  }
0x12: {  	s1 =	sld [smem:$0x3F99];
	s0 =	simm.s32 @p0 $0x1  }
0x13: {  	[smem:$0x3FB4] =	sst s0;
	s0 =	simm.s32 @!p1 $0x0  }
0x14: {  	s2 =	sld [smem:$0x3F98];
	s0 =	simm.s32 @p1 $0x1  }
0x15: {  	[smem:$0x3FB5] =	sst s0;
	s0 =	simm.s32 @!p2 $0x0  }
0x16: {  	s3 =	sld [smem:$0x3FDB];
	s0 =	simm.s32 @p2 $0x1  }
0x17: {  	s4 =	simm.s32 $0x1BF5;
	[smem:$0x3FB7] =	sst s0  }
0x18: {  	s0 =	sld [smem:$0x3F9A];
	_ =	swait.ge [sflag:s4], $0x0  }
0x19: {  	s7 =	sld [smem:$0x3F9B]  }
0x1a: {  	s8 =	sadd.s32 $0xFFFFE003, lr  }
0x1b: {  	s9 =	sadd.s32 $0xFFFFFEF7, lr;
	s5 =	simm.s32 $0xFFFFFFFF;
	p2 =	slt.u32 s8, $0xFFFFF086  }
0x1c: {  	p1 =	slt.u32 s9, $0xF7A;
	s5 =	simm.s32 @!p2 $0x0  }
0x1d: {  	s5 =	simm.s32 @p1 $0x1;
	p0 =	seq.s32 s7, s2  }
0x1e: {  	s7 =	smul.u32 @!p0 $0xF7A, s2;
	p2 =	seq.s32 @!p0 s5, $0x0  }
0x1f: {  	s9 =	smul.u32 $0xF7A, s1;
	s8 =	simm.s32 @!p0 $0x1BF5;
	p2 =	por !p2, p0  }
0x20: {  	[sflag:s8] =	ssyncset.s32 @!p0 $0xFFFFF086;
	s6 =	sadd.s32 @!p0 s3, s7;
	s7 =	simm.s32 @!p0 $0x108  }
0x21: {  	s3 =	sadd.s32 s3, s9;
	s6 =	sadd.s32 @!p0 $0x88, s6;
	s7 =	simm.s32 @p2 $0x1082  }
0x22: {  	[simem:s7], [sflag:s8] =	dma.local @!p0 [hbm:s6], $0xF7A  }
0x23: {  	s9 =	sor.u32 $0xD0000000, s2;
	s6 =	simm.s32 $0x108;
	_ =	swait.ge @!p0 [sflag:s8], $0x0  }
0x24: {  	s3 =	sadd.s32 $0x88, s3;
	s6 =	simm.s32 @!p1 $0x1082;
	[sflag:s4] =	ssyncset.s32 $0xFFFFF086  }
0x25: {  	[simem:s6], [sflag:s4] =	dma.local [hbm:s3], $0xF7A  }
0x26: {  	[smem:$0x3F9B] =	sst s1;
	(tag) =	ssettag s2;
	_ =	strace s9  }
0x27: {  	s1 =	sld [smem:$0x3FAB]  }
0x28: {  	s2 =	sld [smem:$0x3FAC]  }
0x29: {  	s4 =	sld [smem:$0x3FAE]  }
0x2a: {  	p0 =	seq.s32 s5, $0x0;
	s5 =	sld [smem:$0x3FAF]  }
0x2b: {  	s6 =	sld [smem:$0x3FB0]  }
0x2c: {  	s7 =	sld [smem:$0x3FB1]  }
0x2d: {  	s3 =	simm.s32 $0x108;
	s8 =	sld [smem:$0x3FB2]  }
0x2e: {  	s3 =	simm.s32 @!p0 $0x1082;
	s9 =	sld [smem:$0x3FB3]  }
0x2f: {  	lr =	sadd.s32 s0, s3;
	s0 =	sld [smem:$0x3FAA]  }
0x30: {  	s3 =	sld [smem:$0x3FAD]  }
0x31: {  	[smem:$0x3FB6] =	sst s10  }
0x32: {  	s10 =	sld [smem:$0x3FB4];
	_ =	sdelay $0x3  }
0x33: {  	p0 =	seq.s32 s10, $0x1;
	s10 =	sld [smem:$0x3FB6];
	_ =	sdelay $0x3  }
0x34: {  	[smem:$0x3FB6] =	sst s10  }
0x35: {  	s10 =	sld [smem:$0x3FB5];
	_ =	sdelay $0x3  }
0x36: {  	p1 =	seq.s32 s10, $0x1;
	s10 =	sld [smem:$0x3FB6];
	_ =	sdelay $0x3  }
0x37: {  	[smem:$0x3FB6] =	sst s10  }
0x38: {  	s10 =	sld [smem:$0x3FB7]  }
0x39: {  	_ = 	snop;
	(pc) =	sbr.ind lr, $3  }
0x3a: {  	_ = 	snop  }
0x3b: {  	_ = 	snop  }
0x3c: {  	p2 =	seq.s32 s10, $0x1;
	s10 =	sld [smem:$0x3FB6]  }
0x3d: {  	_ =	shalt  }
0x3e: {  	_ =	shalt  }
0x3f: {  	_ =	shalt  }
0x40: {  	_ =	shalt  }
0x41: {  	_ =	shalt  }
0x42: {  	_ =	shalt  }
0x43: {  	_ =	shalt  }
0x44: {  	_ =	shalt  }
0x45: {  	_ =	shalt  }
0x46: {  	_ =	shalt  }
0x47: {  	_ =	shalt  }
0x48: {  	_ =	shalt  }
0x49: {  	_ =	shalt  }
0x4a: {  	_ =	shalt  }
0x4b: {  	_ =	shalt  }
0x4c: {  	_ =	shalt  }
0x4d: {  	_ =	shalt  }
0x4e: {  	_ =	shalt  }
0x4f: {  	_ =	shalt  }
0x50: {  	_ =	shalt  }
0x51: {  	_ =	shalt  }
0x52: {  	_ =	shalt  }
0x53: {  	_ =	shalt  }
0x54: {  	_ =	shalt  }
0x55: {  	_ =	shalt  }
0x56: {  	_ =	shalt  }
0x57: {  	_ =	shalt  }
0x58: {  	_ =	shalt  }
0x59: {  	_ =	shalt  }
0x5a: {  	_ =	shalt  }
0x5b: {  	_ =	shalt  }
0x5c: {  	_ =	shalt  }
0x5d: {  	_ =	shalt  }
0x5e: {  	_ =	shalt  }
0x5f: {  	_ =	shalt  }
0x60: {  	_ =	shalt  }
0x61: {  	_ =	shalt  }
0x62: {  	_ =	shalt  }
0x63: {  	_ =	shalt  }
0x64: {  	_ =	shalt  }
0x65: {  	_ =	shalt  }
0x66: {  	_ =	shalt  }
0x67: {  	_ =	shalt  }
0x68: {  	_ =	shalt  }
0x69: {  	_ =	shalt  }
0x6a: {  	_ =	shalt  }
0x6b: {  	_ =	shalt  }
0x6c: {  	_ =	shalt  }
0x6d: {  	_ =	shalt  }
0x6e: {  	_ =	shalt  }
0x6f: {  	_ =	shalt  }
0x70: {  	_ =	shalt  }
0x71: {  	_ =	shalt  }
0x72: {  	_ =	shalt  }
0x73: {  	_ =	shalt  }
0x74: {  	_ =	shalt  }
0x75: {  	_ =	shalt  }
0x76: {  	_ =	shalt  }
0x77: {  	_ =	shalt  }
0x78: {  	_ =	shalt  }
0x79: {  	_ =	shalt  }
0x7a: {  	_ =	shalt  }
0x7b: {  	_ =	shalt  }
0x7c: {  	_ =	shalt  }
0x7d: {  	_ =	shalt  }
0x7e: {  	_ =	shalt  }
0x7f: {  	_ =	shalt  }
0x80: {  	_ =	shalt  }
0x81: {  	_ =	shalt  }
0x82: {  	_ =	shalt  }
0x83: {  	_ =	shalt  }
0x84: {  	_ =	shalt  }
0x85: {  	_ =	shalt  }
0x86: {  	_ =	shalt  }
0x87: {  	_ =	shalt  }
.Lfunc_end0:
.L_simem_size_0:
called_computation_lowered:
.L_overlay_start_0:
0x88: {  	s2 =	sld [smem:$0x3FD9]  }
0x89: {  	s3 =	sld [smem:$0x3FFE];
	_ =	sdelay $0x1  }
0x8a: {  	s1 =	srdreg.scid  }
0x8b: {  	s0 =	sand.u32 $0x1, s1  }
0x8c: {  	s17 =	sshll.u32 s0, $0xA;
	s2 =	sadd.s32 s3, s2  }
0x8d: {  	s2 =	sadd.s32 s2, s17  }
0x8e: {  	[smem:$0x3FC2] =	sst s2  }
0x8f: {  	_ = 	snop  }
0x90: {  	s2 =	sld [smem:$0x3FC8]  }
0x91: {  	s18 =	sld [smem:$0x3FD0];
	(tm) =	ssettm $0x1  }
0x92: {  	s4 =	sld [smem:$0x3FFB];
	_ =	sdelay $0x3  }
0x93: {  	_ =	strace s4  }
0x94: {  	s4 =	sld [smem:$0x3FFC];
	_ =	sdelay $0x3  }
0x95: {  	_ =	strace s4  }
0x96: {  	s4 =	sld [smem:$0x3FFD];
	_ =	sdelay $0x3  }
0x97: {  	_ =	strace s4  }
0x98: {  	_ =	strace $0x8FFFFFFF  }
0x99: {  	s19 =	sld [smem:$0x3FDB];
	_ =	sdelay $0x1  }
0x9a: {  	s5 =	simm.s32 $_scs_section_size  }
0x9b: {  	s6 =	simm.s32 $_size__tile_overlayer_lowered;
	s7 =	simm.s32 $_tile_overlayer_lowered  }
0x9c: {  	s22 =	simm.s32 $0x1BFF;
	s21 =	sshll.u32 s7, $0x1;
	s4 =	sadd.s32 s5, s19  }
0x9d: {  	s8 =	simm.s32 $0x0;
	s20 =	sshll.u32 s6, $0x1;
	s6 =	sadd.s32 s21, s4  }
0x9e: {  	[timem:s8], [sflag:s22] =	dma.local [hbm:s6], s20  }
0x9f: {  	_ =	swait.ge [sflag:s22], s20  }
0xa0: {  	s5 =	ssub.s32 $0x0, s20;
	[sflag:s22] =	ssyncset.done $0x0  }
0xa1: {  	[sflag:s22] =	ssyncadd.s32 s5;
	_ =	sdelay $0x1  }
0xa2: {  	s23 =	simm.s32 $0x1B8B  }
0xa3: {  	_ =	swait.ge [sflag:s23], $0x1  }
0xa4: {  	[sflag:s23] =	ssyncset.done $0x0  }
0xa5: {  	s25 =	simm.s32 $0x1B8E;
	s24 =	sld [smem:$0x3FFE];
	[sflag:s23] =	ssyncadd.s32 $0xFFFFFFFF  }
0xa6: {  	s26 =	simm.s32 $execute0_lowered;
	[smem:$0x3FD2] =	sst s25  }
0xa7: {  	s6 =	sshll.u32 s26, $0x1;
	_ =	strace $0x80000046;
	[dreg:$0x1] =	wrdreg $0xFFFFFFFF  }
0xa8: {  	s28 =	simm.s32 $_size_execute0_lowered;
	s4 =	sadd.s32 s4, s6;
	[dreg:$0x0] =	wrdreg $0x0  }
0xa9: {  	s6 =	sshll.u32 s28, $0x1;
	[dreg:$0x2] =	wrdreg s4  }
0xaa: {  	[dreg:$0x3] =	wrdreg s6  }
0xab: {  	[dreg:$0x4] =	wrdreg $0xC0  }
0xac: {  	_ =	task [dreg:s8], $0x5FFFF  }
0xad: {  	[dreg:$0x1] =	wrdreg $0xFFFFFFFF  }
0xae: {  	[dreg:$0x0] =	wrdreg $0x60  }
0xaf: {  	[dreg:$0x2] =	wrdreg s24  }
0xb0: {  	[dreg:$0x3] =	wrdreg s18  }
0xb1: {  	[dreg:$0x4] =	wrdreg s2  }
0xb2: {  	[dreg:$0x5] =	wrdreg $0x9  }
0xb3: {  	_ =	task.clear_ibuf [dreg:s8], $0x6FFFF;
	_ =	strace $0x90000046  }
0xb4: {  	s29 =	simm.s32 $0x9;
	_ =	strace $0x80000048  }
0xb5: {  	_ =	swait.ge [sflag:s29], $0x1  }
0xb6: {  	[sflag:s29] =	ssyncadd.s32 $0xFFFFFFFF  }
0xb7: {  	_ =	strace $0x90000048  }
0xb8: {  	_ =	sfence  }
0xb9: {  	s30 =	sld [smem:$0x0];
	_ =	sdelay $0x2  }
0xba: {  	s31 =	sshll.u32 s1, $0xD;
	s1 =	sshrl.u32 s1, $0x2  }
0xbb: {  	s3 =	sand.u32 $0x4000, s31;
	s1 =	sadd.s32 s1, s30  }
0xbc: {  	s0 =	sor.u32 s3, s0;
	s1 =	sshll.u32 s1, $0x11  }
0xbd: {  	s0 =	sor.u32 s1, s0  }
0xbe: {  	s0 =	sadd.s32 $0x8F2B, s0  }
0xbf: {  	[sflag:s0] =	ssyncadd.remote.s32 $0x1  }
0xc0: {  	_ =	sfence.sel $0xFFFF  }
0xc1: {  	[dreg:$0x0] =	wrdreg $0xFFFFFFFF;
	(pc) =	sbr.abs _section_cstart, $3  }
0xc2: {  	[dreg:$0x1] =	wrdreg $0xFFFFFFFF  }
0xc3: {  	_ =	task.clear_ibuf [dreg:s8], $0x2FFFF;
	_ =	strace $0x9FFFFFFF  }
0xc4: {  	(tm) =	ssettm $0x7FFFFFFF  }
0xc5: {  	_ =	shalt  }
tec
execute0_lowered:
.L_overlay_start_1:
0x0: {  	(tag) =	ssettag $0x1  }
0x1: {  	s4 =	rddreg [dreg:$0x0]  }
0x2: {  	s5 =	rddreg [dreg:$0x1]  }
0x3: {  	s2 =	rddreg [dreg:$0x2]  }
0x4: {  	s0 =	rddreg [dreg:$0x3];
	s6 =	srdreg.scid  }
0x5: {  	s3 =	simm.s32 $0x0;
	s1 =	stileid.u32;
	s10 =	simm.s32 $0x1  }
0x6: {  	s11 =	simm.s32 $0x2;
	s12 =	simm.s32 $0x3;
	s13 =	simm.s32 $0x3000  }
0x7: {  	s14 =	simm.s32 $0x4;
	s15 =	simm.s32 $0x0;
	s6 =	sand.u32 $0x1, s6  }
0x8: {  	s7 =	sshll.u32 s1, $0xA;
	s8 =	sshll.u32 s6, $0x9;
	s6 =	ssub.s32 $0x2, s6  }
0x9: {  	[smem:$0x7FF] =	sst s3;
	s7 =	sor.u32 s8, s7;
	s31 =	sshrl.u32 s6, $0x1  }
0xa: {  	_ =	strace $0x80000047;
	s9 =	sadd.s32 s7, s4;
	s8 =	ssub.s32 s6, s31  }
0xb: {  	s5 =	sadd.s32 s5, s7;
	s4 =	sadd.s32 $0x200, s9;
	s6 =	sadd.s32 $0x4200, s9  }
0xc: {  	v0 =	vimm.f32 $0.0e+00;
	s7 =	smax.u32 s8, $0x1;
	s8 =	simm.s32 $0x1000;
	s9 =	simm.s32 $0x2000  }
.LBB2_1:
0xd: {  	[tilespmem:s3], [sflag:$0x1] =	stream.linear.gather [hbm4b:s4+s3], $0x1000, $0x38;
	[tilespmem:$0x4000] =	vst v63  }
0xe: {  	_ = 	snop  }
0xf: {  	[tilespmem:s8], [sflag:$0x2] =	stream.linear.gather [hbm4b:s5+s3], $0x1000, $0x38;
	[tilespmem:$0x4000] =	vst v63  }
0x10: {  	_ = 	snop  }
0x11: {  	[tilespmem:s9], [sflag:$0x3] =	stream.linear.gather [hbm4b:s2+s3], $0x1000, $0x38;
	[tilespmem:$0x4000] =	vst v63  }
0x12: {  	_ =	swait.ge [sflag:s10], $0x1000  }
0x13: {  	[sflag:s10] =	ssyncset.done $0x0  }
0x14: {  	[sflag:s10] =	ssyncadd.s32 $0xFFFFF000  }
0x15: {  	_ =	swait.ge [sflag:s11], $0x1000  }
0x16: {  	[sflag:s11] =	ssyncset.done $0x0  }
0x17: {  	[sflag:s11] =	ssyncadd.s32 $0xFFFFF000  }
0x18: {  	_ =	swait.ge [sflag:s12], $0x1000  }
0x19: {  	s16 =	simm.s32 $0xFFFFFFFC;
	s17 =	simm.s32 $0x3020;
	[sflag:s12] =	ssyncset.done $0x0  }
0x1a: {  	s18 =	simm.s32 $0x1020;
	s19 =	simm.s32 $0x20;
	[sflag:s12] =	ssyncadd.s32 $0xFFFFF000  }
.LBB2_2:
0x1b: {  	v1 =	vld [tilespmem:s19+$0xFFFFFFE0]  }
0x1c: {  	v2 =	vld [tilespmem:s18+$0xFFFFFFE0];
	_ =	sdelay $0x6  }
0x1d: {  	v1 =	vld.idx.msk [tilespmem:v1+s9+$0x0], $0xffff  }
0x1e: {  	v2 =	vld.idx.msk [tilespmem:v2+s9+$0x0], $0xffff;
	_ =	sdelay $0x4  }
0x1f: {  	vm0 =	veq.s32 v1, v2  }
0x20: {  	v1 =	vsel vm0, $0x3F800000, v0  }
0x21: {  	[tilespmem:s17+$0xFFFFFFE0] =	vst v1  }
0x22: {  	v1 =	vld [tilespmem:s19+$0xFFFFFFF0]  }
0x23: {  	v2 =	vld [tilespmem:s18+$0xFFFFFFF0];
	_ =	sdelay $0x6  }
0x24: {  	v1 =	vld.idx.msk [tilespmem:v1+s9+$0x0], $0xffff  }
0x25: {  	v2 =	vld.idx.msk [tilespmem:v2+s9+$0x0], $0xffff;
	_ =	sdelay $0x4  }
0x26: {  	vm13 =	veq.s32 v1, v2  }
0x27: {  	v1 =	vsel vm13, $0x3F800000, v0  }
0x28: {  	[tilespmem:s17+$0xFFFFFFF0] =	vst v1  }
0x29: {  	v1 =	vld [tilespmem:s19+$0x0]  }
0x2a: {  	v2 =	vld [tilespmem:s18+$0x0];
	_ =	sdelay $0x6  }
0x2b: {  	v1 =	vld.idx.msk [tilespmem:v1+s9+$0x0], $0xffff  }
0x2c: {  	v2 =	vld.idx.msk [tilespmem:v2+s9+$0x0], $0xffff;
	_ =	sdelay $0x4  }
0x2d: {  	vm14 =	veq.s32 v1, v2  }
0x2e: {  	v1 =	vsel vm14, $0x3F800000, v0  }
0x2f: {  	[tilespmem:s17+$0x0] =	vst v1  }
0x30: {  	v1 =	vld [tilespmem:s19+$0x10]  }
0x31: {  	v2 =	vld [tilespmem:s18+$0x10];
	_ =	sdelay $0x6  }
0x32: {  	v1 =	vld.idx.msk [tilespmem:v1+s9+$0x0], $0xffff  }
0x33: {  	v2 =	vld.idx.msk [tilespmem:v2+s9+$0x0], $0xffff  }
0x34: {  	s16 =	sadd.s32 $0x4, s16  }
0x35: {  	p0 =	slt.u32 s16, $0xFC  }
.Ltmp0:
0x36: {  	_ = 	snop;
	(pc) =	sbr.rel @p0 .LBB2_2-.Ltmp0, $4  }
0x37: {  	_ = 	snop  }
0x38: {  	vm15 =	veq.s32 v1, v2  }
0x39: {  	v1 =	vsel vm15, $0x3F800000, v0  }
0x3a: {  	s18 =	sadd.s32 $0x40, s18;
	s19 =	sadd.s32 $0x40, s19;
	[tilespmem:s17+$0x10] =	vst v1;
	s17 =	sadd.s32 $0x40, s17  }
0x3b: {  	s15 =	sadd.s32 $0x1, s15  }
0x3c: {  	p0 =	sne.s32 s15, s7  }
.Ltmp1:
0x3d: {  	_ = 	snop;
	(pc) =	sbr.rel @p0 .LBB2_1-.Ltmp1, $4  }
0x3e: {  	[hbm4b:s6+s3] =	stream.linear.scatter [tilespmem:s13], [sflag:$0x4], $0x1000, $0x38;
	[tilespmem:$0x4000] =	vst v63  }
0x3f: {  	_ =	swait.ge [sflag:s14], $0x1000  }
0x40: {  	[sflag:s14] =	ssyncset.done $0x0  }
0x41: {  	[sflag:s14] =	ssyncadd.s32 $0xFFFFF000  }
0x42: {  	_ =	sfence.sel $0x180000  }
0x43: {  	[bflag:$0x0] =	sbarrier.arrive $0xFFFF  }
0x44: {  	p0 =	sne.s32 s1, $0x0;
	_ =	strace $0x90000047  }
0x45: {  	s0 =	sadd.s32 @!p0 $0x100000, s0;
	[bflag:$0x2] =	sbarrier.arrive $0xFFFF  }
0x46: {  	[sflag:s0] =	ssyncadd.tile.s32 @!p0 $0x1;
	_ =	shalt  }
.Lfunc_end2:
_tile_overlayer_lowered:
.L_overlay_start_2:
0x47: {  	(tag) =	ssettag $0x2  }
0x48: {  	s0 =	rddreg [dreg:$0x0];
	s2 =	stileid.u32  }
0x49: {  	s1 =	rddreg [dreg:$0x1];
	p0 =	sne.s32 s2, $0x0  }
0x4a: {  	s3 =	rddreg [dreg:$0x2];
	[bflag:$0x3] =	sbarrier.arrive $0xFFFF;
	s2 =	simm.s32 @!p0 $0x1C04  }
0x4b: {  	[timem:s3], [sflag:s2] =	dma.local @!p0 [hbm:s0], s1  }
0x4c: {  	s0 =	simm.s32 @!p0 $0x4  }
0x4d: {  	_ =	swait.ge @!p0 [sflag:s0], s1  }
0x4e: {  	s1 =	ssub.s32 @!p0 $0x0, s1;
	[sflag:s0] =	ssyncset.done @!p0 $0x0  }
0x4f: {  	[sflag:s0] =	ssyncadd.s32 @!p0 s1  }
0x50: {  	[bflag:$0x3] =	sbarrier.arrive $0xFFFF  }
0x51: {  	_ =	shalt  }

</sc_bundles>
